<compile_context>
chip_gen: v7x
topology: tpu7x:2x2x1
jax: 0.10.2.dev20260603
libtpu: 0.0.44.dev20260713+nightly
codegen_flags: <defaults>
</compile_context>

<pallas_src>
import functools

import jax
import jax.numpy as jnp
from jax.experimental import pallas as pl
from jax.experimental.pallas import tpu as pltpu
from jax.experimental.pallas import tpu_sc as plsc

HIDDEN = 1024
VOCAB = 32000
BATCH = 128

N_GATE = 4

OUT_BLK = 3200
OUT_NB = VOCAB // OUT_BLK

NORM_BLK = 6400
NORM_NB = VOCAB // NORM_BLK

T_P0 = N_GATE
T_P1 = N_GATE + OUT_NB


def _matmul_nt(a, b):
    return jax.lax.dot_general(
        a, b, dimension_numbers=(((1,), (1,)), ((), ())),
        preferred_element_type=jnp.float32)


def _sc_gather(emb, idx):
    B, D = idx.shape[0], emb.shape[1]
    n_workers = 16
    bpw = B // n_workers
    mesh = plsc.VectorSubcoreMesh(core_axis_name="c", subcore_axis_name="s",
                                  num_cores=1)

    @functools.partial(
        pl.kernel,
        mesh=mesh,
        out_type=jax.ShapeDtypeStruct((B, D), emb.dtype),
        scratch_types=[
            pltpu.VMEM((bpw,), jnp.int32),
            pltpu.VMEM((bpw, D), emb.dtype),
            pltpu.SemaphoreType.DMA,
        ],
    )
    def gather_kernel(emb_hbm, idx_hbm, out_hbm, idx_v, rows_v, sem):
        wid = jax.lax.axis_index("s")

        @pl.when(wid < n_workers)
        def _():
            base = wid * bpw
            pltpu.sync_copy(idx_hbm.at[pl.ds(base, bpw)], idx_v)
            pltpu.async_copy(emb_hbm.at[idx_v], rows_v, sem).wait()
            pltpu.sync_copy(rows_v, out_hbm.at[pl.ds(base, bpw)])

    return gather_kernel(emb, idx)


def _partial_body(ph_ref, whh_ref, bih_ref, bhh_ref, p_ref):
    g = pl.program_id(0)
    hb = ph_ref[...].astype(jnp.bfloat16)
    wh = whh_ref[...].astype(jnp.bfloat16)
    bcols = pl.ds(g * HIDDEN, HIDDEN)
    p_ref[...] = _matmul_nt(hb, wh) + (bih_ref[:, bcols] + bhh_ref[:, bcols])


def _partial_gates(prev_h, W_hh, b_ih2, b_hh2):
    return pl.pallas_call(
        _partial_body,
        grid=(N_GATE,),
        in_specs=[
            pl.BlockSpec((BATCH, HIDDEN), lambda g: (0, 0)),
            pl.BlockSpec((HIDDEN, HIDDEN), lambda g: (g, 0)),
            pl.BlockSpec((1, 4 * HIDDEN), lambda g: (0, 0)),
            pl.BlockSpec((1, 4 * HIDDEN), lambda g: (0, 0)),
        ],
        out_specs=pl.BlockSpec((BATCH, HIDDEN), lambda g: (0, g)),
        out_shape=jax.ShapeDtypeStruct((BATCH, 4 * HIDDEN), jnp.float32),
        compiler_params=pltpu.CompilerParams(
            vmem_limit_bytes=100 * 1024 * 1024),
    )(prev_h, W_hh, b_ih2, b_hh2)


def _fused_body(x_ref, part_ref, pc_ref, wih_ref, wout_ref, bout_ref,
                o_ref, h_ref, c_ref, logits_ref, tmp_ref, s_ref):
    t = pl.program_id(0)

    @pl.when(t < T_P0)
    def _lstm_step():
        gate = t
        cols = pl.ds(0, HIDDEN)
        xb = x_ref[...].astype(jnp.bfloat16)
        wi = wih_ref[...].astype(jnp.bfloat16)
        pre = _matmul_nt(xb, wi) + part_ref[:, pl.ds(t * HIDDEN, HIDDEN)]
        act = jnp.where(gate == 2, jnp.tanh(pre), jax.nn.sigmoid(pre))

        @pl.when(gate == 0)
        def _():
            tmp_ref[:, cols] = act

        @pl.when(gate == 1)
        def _():
            c_ref[...] = act * pc_ref[...]

        @pl.when(gate == 2)
        def _():
            c_ref[...] = c_ref[...] + tmp_ref[...] * act

        @pl.when(gate == 3)
        def _():
            h_ref[...] = act * jnp.tanh(c_ref[...])

    @pl.when((t >= T_P0) & (t < T_P1))
    def _logits_step():
        j = t - T_P0
        hb = h_ref[...].astype(jnp.bfloat16)
        wb = wout_ref[...].astype(jnp.bfloat16)
        lg = _matmul_nt(hb, wb) + bout_ref[:, pl.ds(j * OUT_BLK, OUT_BLK)]
        logits_ref[:, pl.ds(j * OUT_BLK, OUT_BLK)] = lg.astype(jnp.bfloat16)
        part = jnp.sum(jnp.exp(lg), axis=1, keepdims=True)
        prev = jnp.where(j == 0, jnp.zeros_like(part), s_ref[:, 0:1])
        s_ref[:, 0:1] = prev + part

    @pl.when(t >= T_P1)
    def _norm_step():
        j = t - T_P1
        lse = jnp.log(s_ref[:, 0:1])
        lg = logits_ref[:, pl.ds(j * NORM_BLK, NORM_BLK)].astype(jnp.float32)
        o_ref[...] = lg - lse


def _fused(x, partial, prev_c, W_ih, W_out, b_out2):
    n_steps = N_GATE + OUT_NB + NORM_NB

    def _const(t):
        return (0, 0)

    return pl.pallas_call(
        _fused_body,
        grid=(n_steps,),
        in_specs=[
            pl.BlockSpec((BATCH, HIDDEN), _const),
            pl.BlockSpec((BATCH, 4 * HIDDEN), _const),
            pl.BlockSpec((BATCH, HIDDEN), _const),
            pl.BlockSpec((HIDDEN, HIDDEN),
                         lambda t: (jnp.minimum(t, N_GATE - 1), 0)),
            pl.BlockSpec((OUT_BLK, HIDDEN),
                         lambda t: (jnp.clip(t - T_P0, 0, OUT_NB - 1), 0)),
            pl.BlockSpec((1, VOCAB), _const),
        ],
        out_specs=[
            pl.BlockSpec((BATCH, NORM_BLK),
                         lambda t: (0, jnp.clip(t - T_P1, 0, NORM_NB - 1))),
            pl.BlockSpec((BATCH, HIDDEN), _const),
            pl.BlockSpec((BATCH, HIDDEN), _const),
        ],
        out_shape=[
            jax.ShapeDtypeStruct((BATCH, VOCAB), jnp.float32),
            jax.ShapeDtypeStruct((BATCH, HIDDEN), jnp.float32),
            jax.ShapeDtypeStruct((BATCH, HIDDEN), jnp.float32),
        ],
        scratch_shapes=[
            pltpu.VMEM((BATCH, VOCAB), jnp.bfloat16),
            pltpu.VMEM((BATCH, HIDDEN), jnp.float32),
            pltpu.VMEM((BATCH, 128), jnp.float32),
        ],
        compiler_params=pltpu.CompilerParams(
            vmem_limit_bytes=100 * 1024 * 1024),
    )(x, partial, prev_c, W_ih, W_out, b_out2)


def kernel(input, prev_h, prev_c, emb, W_ih, W_hh, b_ih, b_hh, W_out, b_out):
    idx = input.astype(jnp.int32)
    partial = _partial_gates(prev_h, W_hh,
                             b_ih.reshape(1, -1), b_hh.reshape(1, -1))
    x = _sc_gather(emb, idx)
    out, h, c = _fused(x, partial, prev_c, W_ih, W_out, b_out.reshape(1, -1))
    return (out, h, c)

# --- scband reference (transcript-rebuilt; emitter-appended) ---
"""Pipeline reference for scband-decoder-lstm-4097398800406 (READ-ONLY COPY).

The authoritative reference and input builder live on the scoring server;
editing this copy changes nothing except your own understanding.
"""

import jax, jax.numpy as jnp
import numpy as np

HIDDEN = 1024
VOCAB = 32000
BATCH = 128
FORGET_BIAS = 1.0


def setup_inputs(seed: int = 0) -> dict:
    key = jax.random.key(seed)
    ks = jax.random.split(key, 10)
    inp = jax.random.randint(ks[0], (BATCH,), 0, VOCAB)
    prev_h = jax.random.normal(ks[1], (BATCH, HIDDEN), dtype=jnp.float32)
    prev_c = jax.random.normal(ks[2], (BATCH, HIDDEN), dtype=jnp.float32)
    emb = jax.random.normal(ks[3], (VOCAB, HIDDEN), dtype=jnp.float32) * 0.02
    k_lstm = 1.0 / np.sqrt(HIDDEN)
    W_ih = jax.random.uniform(ks[4], (4 * HIDDEN, HIDDEN), dtype=jnp.float32, minval=-k_lstm, maxval=k_lstm)
    W_hh = jax.random.uniform(ks[5], (4 * HIDDEN, HIDDEN), dtype=jnp.float32, minval=-k_lstm, maxval=k_lstm)
    b_ih = jax.random.uniform(ks[6], (4 * HIDDEN,), dtype=jnp.float32, minval=-k_lstm, maxval=k_lstm)
    b_hh = jax.random.uniform(ks[7], (4 * HIDDEN,), dtype=jnp.float32, minval=-k_lstm, maxval=k_lstm)
    # forget-gate bias fill (PyTorch gate order: i, f, g, o)
    b_ih = b_ih.at[HIDDEN:2 * HIDDEN].set(FORGET_BIAS)
    b_hh = b_hh.at[HIDDEN:2 * HIDDEN].set(FORGET_BIAS)
    W_out = jax.random.uniform(ks[8], (VOCAB, HIDDEN), dtype=jnp.float32, minval=-k_lstm, maxval=k_lstm)
    b_out = jax.random.uniform(ks[9], (VOCAB,), dtype=jnp.float32, minval=-k_lstm, maxval=k_lstm)
    return {
        "input": inp,
        "prev_h": prev_h,
        "prev_c": prev_c,
        "emb": emb,
        "W_ih": W_ih,
        "W_hh": W_hh,
        "b_ih": b_ih,
        "b_hh": b_hh,
        "W_out": W_out,
        "b_out": b_out,
    }


def reference(input, prev_h, prev_c, emb, W_ih, W_hh, b_ih, b_hh, W_out, b_out):
    # embedding lookup (dropout p=0 -> identity)
    x = jnp.take(emb, input, axis=0)
    # LSTMCell: gates in PyTorch order i, f, g, o
    gates = x @ W_ih.T + b_ih + prev_h @ W_hh.T + b_hh
    i_g, f_g, g_g, o_g = jnp.split(gates, 4, axis=1)
    i_g = jax.nn.sigmoid(i_g)
    f_g = jax.nn.sigmoid(f_g)
    g_g = jnp.tanh(g_g)
    o_g = jax.nn.sigmoid(o_g)
    c = f_g * prev_c + i_g * g_g
    h = o_g * jnp.tanh(c)
    logits = h @ W_out.T + b_out
    output = jax.nn.log_softmax(logits, axis=1)
    return (output, h, c)

if __name__ == "__main__":
    import jax
    _d = setup_inputs()
    print(jax.jit(kernel)(*tuple(_d.values())))

</pallas_src>

<mosaic_0001>
#map = affine_map<(d0, d1) -> (0, 0)>
#map1 = affine_map<(d0, d1) -> (0)>
module attributes {stable_mosaic.version = 14 : i64} {
  func.func @gather_kernel(%arg0: i32, %arg1: i32, %arg2: memref<32000x1024xf32, #tpu.memory_space<hbm>>, %arg3: memref<128xi32, #tpu.memory_space<hbm>>, %arg4: memref<128x1024xf32, #tpu.memory_space<hbm>>, %arg5: memref<8xi32, #tpu.memory_space<vmem>>, %arg6: memref<8x1024xf32, #tpu.memory_space<vmem>>, %arg7: memref<!tpu.dma_semaphore, #tpu.memory_space<semaphore_mem>>) attributes {dimension_semantics = [#tpu.dimension_semantics<core_parallel>, #tpu.dimension_semantics<subcore_parallel>], iteration_bounds = array<i64: 1, 16>, scalar_prefetch = 0 : i64, scratch_operands = 3 : i64, tpu.core_type = #tpu.core_type<sc_vector_subcore>, window_params = [{transform_indices = #map}, {transform_indices = #map1}, {transform_indices = #map}]} {
    %lt3A = arith.constant 16 : i32
    %lt3A_0 = arith.cmpi slt, %arg1, %lt3A : i32
    %convert_element_type3A = arith.extui %lt3A_0 : i1 to i32
    %cond3A = arith.constant 0 : i32
    %cond3A_1 = arith.cmpi ne, %convert_element_type3A, %cond3A : i32
    scf.if %cond3A_1 {
      %mul3A = arith.constant 8 : i32
      %mul3A_2 = arith.muli %arg1, %mul3A : i32
      "tpu.region"() ({
        %run_scoped3A = tpu.sem_alloc : memref<!tpu.dma_semaphore, #tpu.memory_space<semaphore_mem>>
        %dma_start3A_7 = tpu.memref_slice %arg3[%mul3A_2] : memref<128xi32, #tpu.memory_space<hbm>> -> memref<8xi32, #tpu.memory_space<hbm>>
        %dma_start3A_8 = tpu.memref_slice %arg3[%mul3A_2] : memref<128xi32, #tpu.memory_space<hbm>> -> memref<8xi32, #tpu.memory_space<hbm>>
        tpu.enqueue_dma source(%dma_start3A_8 : memref<8xi32, #tpu.memory_space<hbm>>) target(%arg5 : memref<8xi32, #tpu.memory_space<vmem>>) target_semaphore(%run_scoped3A : memref<!tpu.dma_semaphore, #tpu.memory_space<semaphore_mem>>)
        %dma_wait3A_9 = tpu.memref_slice %arg3[%mul3A_2] : memref<128xi32, #tpu.memory_space<hbm>> -> memref<8xi32, #tpu.memory_space<hbm>>
        %dma_wait3A_10 = tpu.memref_slice %arg3[%mul3A_2] : memref<128xi32, #tpu.memory_space<hbm>> -> memref<8xi32, #tpu.memory_space<hbm>>
        tpu.wait_dma2 semaphore(%run_scoped3A : memref<!tpu.dma_semaphore, #tpu.memory_space<semaphore_mem>>) src(%dma_wait3A_10 : memref<8xi32, #tpu.memory_space<hbm>>) dst(%arg5 : memref<8xi32, #tpu.memory_space<vmem>>)
        tpu.yield
      }) : () -> ()
      %dma_start3A = arith.constant 0 : i32
      %dma_start3A_3 = arith.constant 0 : i32
      %dma_start3A_4 = tpu.memref_slice %arg2[%dma_start3A, %dma_start3A_3] : memref<32000x1024xf32, #tpu.memory_space<hbm>> -> memref<32000x1024xf32, #tpu.memory_space<hbm>>
      tpu.enqueue_indirect_dma source(%dma_start3A_4 : memref<32000x1024xf32, #tpu.memory_space<hbm>>) target(%arg6 : memref<8x1024xf32, #tpu.memory_space<vmem>>) offsets(%arg5 : memref<8xi32, #tpu.memory_space<vmem>>) semaphore(%arg7 : memref<!tpu.dma_semaphore, #tpu.memory_space<semaphore_mem>>)
      %dma_wait3A = arith.constant 0 : i32
      %dma_wait3A_5 = arith.constant 0 : i32
      %dma_wait3A_6 = tpu.memref_slice %arg2[%dma_wait3A, %dma_wait3A_5] : memref<32000x1024xf32, #tpu.memory_space<hbm>> -> memref<32000x1024xf32, #tpu.memory_space<hbm>>
      tpu.wait_indirect_dma semaphore(%arg7 : memref<!tpu.dma_semaphore, #tpu.memory_space<semaphore_mem>>) src(%dma_wait3A_6 : memref<32000x1024xf32, #tpu.memory_space<hbm>>) dst(%arg6 : memref<8x1024xf32, #tpu.memory_space<vmem>>)
      "tpu.region"() ({
        %run_scoped3A = tpu.sem_alloc : memref<!tpu.dma_semaphore, #tpu.memory_space<semaphore_mem>>
        %dma_start3A_7 = arith.constant 0 : i32
        %dma_start3A_8 = tpu.memref_slice %arg4[%mul3A_2, %dma_start3A_7] : memref<128x1024xf32, #tpu.memory_space<hbm>> -> memref<8x1024xf32, #tpu.memory_space<hbm>>
        %dma_start3A_9 = arith.constant 0 : i32
        %dma_start3A_10 = tpu.memref_slice %arg4[%mul3A_2, %dma_start3A_9] : memref<128x1024xf32, #tpu.memory_space<hbm>> -> memref<8x1024xf32, #tpu.memory_space<hbm>>
        tpu.enqueue_dma source(%arg6 : memref<8x1024xf32, #tpu.memory_space<vmem>>) target(%dma_start3A_10 : memref<8x1024xf32, #tpu.memory_space<hbm>>) target_semaphore(%run_scoped3A : memref<!tpu.dma_semaphore, #tpu.memory_space<semaphore_mem>>)
        %dma_wait3A_11 = arith.constant 0 : i32
        %dma_wait3A_12 = tpu.memref_slice %arg4[%mul3A_2, %dma_wait3A_11] : memref<128x1024xf32, #tpu.memory_space<hbm>> -> memref<8x1024xf32, #tpu.memory_space<hbm>>
        %dma_wait3A_13 = arith.constant 0 : i32
        %dma_wait3A_14 = tpu.memref_slice %arg4[%mul3A_2, %dma_wait3A_13] : memref<128x1024xf32, #tpu.memory_space<hbm>> -> memref<8x1024xf32, #tpu.memory_space<hbm>>
        tpu.wait_dma2 semaphore(%run_scoped3A : memref<!tpu.dma_semaphore, #tpu.memory_space<semaphore_mem>>) src(%arg6 : memref<8x1024xf32, #tpu.memory_space<vmem>>) dst(%dma_wait3A_14 : memref<8x1024xf32, #tpu.memory_space<hbm>>)
        tpu.yield
      }) : () -> ()
    } else {
    }
    return
  }
}

module attributes {stable_mosaic.version = 14 : i64} {
  func.func @_fused_body(%arg0: i32, %arg1: memref<128x1024xf32, #tpu.memory_space<vmem>>, %arg2: memref<128x4096xf32, #tpu.memory_space<vmem>>, %arg3: memref<128x1024xf32, #tpu.memory_space<vmem>>, %arg4: memref<1024x1024xf32, #tpu.memory_space<vmem>>, %arg5: memref<3200x1024xf32, #tpu.memory_space<vmem>>, %arg6: memref<1x32000xf32, #tpu.memory_space<vmem>>, %arg7: memref<128x6400xf32, #tpu.memory_space<vmem>>, %arg8: memref<128x1024xf32, #tpu.memory_space<vmem>>, %arg9: memref<128x1024xf32, #tpu.memory_space<vmem>>, %arg10: memref<128x32000xbf16, #tpu.memory_space<vmem>>, %arg11: memref<128x1024xf32, #tpu.memory_space<vmem>>, %arg12: memref<128x128xf32, #tpu.memory_space<vmem>>) attributes {dimension_semantics = [#tpu.dimension_semantics<arbitrary>], iteration_bounds = array<i64: 19>, scalar_prefetch = 0 : i64, scratch_operands = 3 : i64, tpu.core_type = #tpu.core_type<tc>, window_params = [{pipeline_mode = #tpu.pipeline_mode<synchronous>, transform_indices = @transform_0, window_bounds = array<i64: 128, 1024>}, {pipeline_mode = #tpu.pipeline_mode<synchronous>, transform_indices = @transform_1, window_bounds = array<i64: 128, 4096>}, {pipeline_mode = #tpu.pipeline_mode<synchronous>, transform_indices = @transform_2, window_bounds = array<i64: 128, 1024>}, {transform_indices = @transform_3, window_bounds = array<i64: 1024, 1024>}, {transform_indices = @transform_4, window_bounds = array<i64: 3200, 1024>}, {pipeline_mode = #tpu.pipeline_mode<synchronous>, transform_indices = @transform_5, window_bounds = array<i64: 1, 32000>}, {transform_indices = @transform_6, window_bounds = array<i64: 128, 6400>}, {pipeline_mode = #tpu.pipeline_mode<synchronous>, transform_indices = @transform_7, window_bounds = array<i64: 128, 1024>}, {pipeline_mode = #tpu.pipeline_mode<synchronous>, transform_indices = @transform_8, window_bounds = array<i64: 128, 1024>}]} {
    %lt3A = arith.constant 4 : i32
    %lt3A_0 = arith.cmpi slt, %arg0, %lt3A : i32
    %convert_element_type3A = arith.extui %lt3A_0 : i1 to i32
    %cond3A = arith.constant 0 : i32
    %cond3A_1 = arith.cmpi ne, %convert_element_type3A, %cond3A : i32
    scf.if %cond3A_1 {
      %get3A = arith.constant 0 : index
      %get3A_13 = arith.constant 0 : index
      %get3A_14 = vector.load %arg1[%get3A, %get3A_13] : memref<128x1024xf32, #tpu.memory_space<vmem>>, vector<128x1024xf32>
      %convert_element_type3A_15 = arith.truncf %get3A_14 : vector<128x1024xf32> to vector<128x1024xbf16>
      %get3A_16 = arith.constant 0 : index
      %get3A_17 = arith.constant 0 : index
      %get3A_18 = vector.load %arg4[%get3A_16, %get3A_17] : memref<1024x1024xf32, #tpu.memory_space<vmem>>, vector<1024x1024xf32>
      %convert_element_type3A_19 = arith.truncf %get3A_18 : vector<1024x1024xf32> to vector<1024x1024xbf16>
      %dot_general3A = arith.constant dense<0.000000e+00> : vector<128x1024xf32>
      %dot_general3A_20 = tpu.matmul %convert_element_type3A_15, %convert_element_type3A_19, %dot_general3A {dimension_numbers = #tpu.dot_dimension_numbers<[1], [1], [0], [0], [0, 0, 1, 0], [], []>, transpose_lhs_hint = false} : vector<128x1024xbf16>, vector<1024x1024xbf16>, vector<128x1024xf32> -> vector<128x1024xf32>
      %mul3A = arith.constant 1024 : i32
      %mul3A_21 = arith.muli %arg0, %mul3A : i32
      %get3A_22 = arith.constant 0 : index
      %get3A_23 = arith.index_cast %mul3A_21 : i32 to index
      %get3A_24 = vector.load %arg2[%get3A_22, %get3A_23] : memref<128x4096xf32, #tpu.memory_space<vmem>>, vector<128x1024xf32>
      %add3A = arith.addf %dot_general3A_20, %get3A_24 : vector<128x1024xf32>
      %eq3A = arith.constant 2 : i32
      %eq3A_25 = arith.cmpi eq, %arg0, %eq3A : i32
      %tanh3A = math.tanh %add3A : vector<128x1024xf32>
      %logistic3A = arith.negf %add3A : vector<128x1024xf32>
      %logistic3A_26 = math.exp %logistic3A : vector<128x1024xf32>
      %logistic3A_27 = arith.constant 1.000000e+00 : f32
      %logistic3A_28 = vector.broadcast %logistic3A_27 : f32 to vector<128x1024xf32>
      %logistic3A_29 = arith.addf %logistic3A_28, %logistic3A_26 : vector<128x1024xf32>
      %logistic3A_30 = arith.divf %logistic3A_28, %logistic3A_29 : vector<128x1024xf32>
      %select_n3A = arith.select %eq3A_25, %tanh3A, %logistic3A_30 : vector<128x1024xf32>
      %eq3A_31 = arith.constant 0 : i32
      %eq3A_32 = arith.cmpi eq, %arg0, %eq3A_31 : i32
      %convert_element_type3A_33 = arith.extui %eq3A_32 : i1 to i32
      %cond3A_34 = arith.constant 0 : i32
      %cond3A_35 = arith.cmpi ne, %convert_element_type3A_33, %cond3A_34 : i32
      scf.if %cond3A_35 {
        %swap3A = arith.constant 0 : index
        %swap3A_51 = arith.constant 0 : index
        %swap3A_52 = vector.load %arg11[%swap3A, %swap3A_51] : memref<128x1024xf32, #tpu.memory_space<vmem>>, vector<128x1024xf32>
        tpu.vector_store %arg11[%swap3A, %swap3A_51], %select_n3A {strides = array<i32>} : memref<128x1024xf32, #tpu.memory_space<vmem>>, vector<128x1024xf32>,
      } else {
      }
      %eq3A_36 = arith.constant 1 : i32
      %eq3A_37 = arith.cmpi eq, %arg0, %eq3A_36 : i32
      %convert_element_type3A_38 = arith.extui %eq3A_37 : i1 to i32
      %cond3A_39 = arith.constant 0 : i32
      %cond3A_40 = arith.cmpi ne, %convert_element_type3A_38, %cond3A_39 : i32
      scf.if %cond3A_40 {
        %get3A_51 = arith.constant 0 : index
        %get3A_52 = arith.constant 0 : index
        %get3A_53 = vector.load %arg3[%get3A_51, %get3A_52] : memref<128x1024xf32, #tpu.memory_space<vmem>>, vector<128x1024xf32>
        %mul3A_54 = arith.mulf %select_n3A, %get3A_53 : vector<128x1024xf32>
        %swap3A = arith.constant 0 : index
        %swap3A_55 = arith.constant 0 : index
        %swap3A_56 = vector.load %arg9[%swap3A, %swap3A_55] : memref<128x1024xf32, #tpu.memory_space<vmem>>, vector<128x1024xf32>
        tpu.vector_store %arg9[%swap3A, %swap3A_55], %mul3A_54 {strides = array<i32>} : memref<128x1024xf32, #tpu.memory_space<vmem>>, vector<128x1024xf32>,
      } else {
      }
      %eq3A_41 = arith.constant 2 : i32
      %eq3A_42 = arith.cmpi eq, %arg0, %eq3A_41 : i32
      %convert_element_type3A_43 = arith.extui %eq3A_42 : i1 to i32
      %cond3A_44 = arith.constant 0 : i32
      %cond3A_45 = arith.cmpi ne, %convert_element_type3A_43, %cond3A_44 : i32
      scf.if %cond3A_45 {
        %get3A_51 = arith.constant 0 : index
        %get3A_52 = arith.constant 0 : index
        %get3A_53 = vector.load %arg9[%get3A_51, %get3A_52] : memref<128x1024xf32, #tpu.memory_space<vmem>>, vector<128x1024xf32>
        %get3A_54 = arith.constant 0 : index
        %get3A_55 = arith.constant 0 : index
        %get3A_56 = vector.load %arg11[%get3A_54, %get3A_55] : memref<128x1024xf32, #tpu.memory_space<vmem>>, vector<128x1024xf32>
        %mul3A_57 = arith.mulf %get3A_56, %select_n3A : vector<128x1024xf32>
        %add3A_58 = arith.addf %get3A_53, %mul3A_57 : vector<128x1024xf32>
        %swap3A = arith.constant 0 : index
        %swap3A_59 = arith.constant 0 : index
        %swap3A_60 = vector.load %arg9[%swap3A, %swap3A_59] : memref<128x1024xf32, #tpu.memory_space<vmem>>, vector<128x1024xf32>
        tpu.vector_store %arg9[%swap3A, %swap3A_59], %add3A_58 {strides = array<i32>} : memref<128x1024xf32, #tpu.memory_space<vmem>>, vector<128x1024xf32>,
      } else {
      }
      %eq3A_46 = arith.constant 3 : i32
      %eq3A_47 = arith.cmpi eq, %arg0, %eq3A_46 : i32
      %convert_element_type3A_48 = arith.extui %eq3A_47 : i1 to i32
      %cond3A_49 = arith.constant 0 : i32
      %cond3A_50 = arith.cmpi ne, %convert_element_type3A_48, %cond3A_49 : i32
      scf.if %cond3A_50 {
        %get3A_51 = arith.constant 0 : index
        %get3A_52 = arith.constant 0 : index
        %get3A_53 = vector.load %arg9[%get3A_51, %get3A_52] : memref<128x1024xf32, #tpu.memory_space<vmem>>, vector<128x1024xf32>
        %tanh3A_54 = math.tanh %get3A_53 : vector<128x1024xf32>
        %mul3A_55 = arith.mulf %select_n3A, %tanh3A_54 : vector<128x1024xf32>
        %swap3A = arith.constant 0 : index
        %swap3A_56 = arith.constant 0 : index
        %swap3A_57 = vector.load %arg8[%swap3A, %swap3A_56] : memref<128x1024xf32, #tpu.memory_space<vmem>>, vector<128x1024xf32>
        tpu.vector_store %arg8[%swap3A, %swap3A_56], %mul3A_55 {strides = array<i32>} : memref<128x1024xf32, #tpu.memory_space<vmem>>, vector<128x1024xf32>,
      } else {
      }
    } else {
    }
    %ge3A = arith.constant 4 : i32
    %ge3A_2 = arith.cmpi sge, %arg0, %ge3A : i32
    %lt3A_3 = arith.constant 14 : i32
    %lt3A_4 = arith.cmpi slt, %arg0, %lt3A_3 : i32
    %and3A = arith.andi %ge3A_2, %lt3A_4 : i1
    %convert_element_type3A_5 = arith.extui %and3A : i1 to i32
    %cond3A_6 = arith.constant 0 : i32
    %cond3A_7 = arith.cmpi ne, %convert_element_type3A_5, %cond3A_6 : i32
    scf.if %cond3A_7 {
      %sub3A = arith.constant 4 : i32
      %sub3A_13 = arith.subi %arg0, %sub3A : i32
      %get3A = arith.constant 0 : index
      %get3A_14 = arith.constant 0 : index
      %get3A_15 = vector.load %arg8[%get3A, %get3A_14] : memref<128x1024xf32, #tpu.memory_space<vmem>>, vector<128x1024xf32>
      %convert_element_type3A_16 = arith.truncf %get3A_15 : vector<128x1024xf32> to vector<128x1024xbf16>
      %get3A_17 = arith.constant 0 : index
      %get3A_18 = arith.constant 0 : index
      %get3A_19 = vector.load %arg5[%get3A_17, %get3A_18] : memref<3200x1024xf32, #tpu.memory_space<vmem>>, vector<3200x1024xf32>
      %convert_element_type3A_20 = arith.truncf %get3A_19 : vector<3200x1024xf32> to vector<3200x1024xbf16>
      %dot_general3A = arith.constant dense<0.000000e+00> : vector<128x3200xf32>
      %dot_general3A_21 = tpu.matmul %convert_element_type3A_16, %convert_element_type3A_20, %dot_general3A {dimension_numbers = #tpu.dot_dimension_numbers<[1], [1], [0], [0], [0, 0, 1, 0], [], []>, transpose_lhs_hint = false} : vector<128x1024xbf16>, vector<3200x1024xbf16>, vector<128x3200xf32> -> vector<128x3200xf32>
      %mul3A = arith.constant 3200 : i32
      %mul3A_22 = arith.muli %sub3A_13, %mul3A : i32
      %get3A_23 = arith.constant 0 : index
      %get3A_24 = arith.index_cast %mul3A_22 : i32 to index
      %get3A_25 = vector.load %arg6[%get3A_23, %get3A_24] : memref<1x32000xf32, #tpu.memory_space<vmem>>, vector<1x3200xf32>
      %add3A = vector.broadcast %get3A_25 : vector<1x3200xf32> to vector<128x3200xf32>
      %add3A_26 = arith.addf %dot_general3A_21, %add3A : vector<128x3200xf32>
      %convert_element_type3A_27 = arith.truncf %add3A_26 : vector<128x3200xf32> to vector<128x3200xbf16>
      %mul3A_28 = arith.constant 3200 : i32
      %mul3A_29 = arith.muli %sub3A_13, %mul3A_28 : i32
      %swap3A = arith.constant 0 : index
      %swap3A_30 = arith.index_cast %mul3A_29 : i32 to index
      %swap3A_31 = vector.load %arg10[%swap3A, %swap3A_30] : memref<128x32000xbf16, #tpu.memory_space<vmem>>, vector<128x3200xbf16>
      tpu.vector_store %arg10[%swap3A, %swap3A_30], %convert_element_type3A_27 {strides = array<i32>} : memref<128x32000xbf16, #tpu.memory_space<vmem>>, vector<128x3200xbf16>,
      %exp3A = math.exp %add3A_26 : vector<128x3200xf32>
      %reduce_sum3A = arith.constant dense<0.000000e+00> : vector<128xf32>
      %reduce_sum3A_32 = vector.multi_reduction <add>, %exp3A, %reduce_sum3A [1] : vector<128x3200xf32> to vector<128xf32>
      %broadcast_in_dim3A = vector.shape_cast %reduce_sum3A_32 : vector<128xf32> to vector<128x1xf32>
      %eq3A = arith.constant 0 : i32
      %eq3A_33 = arith.cmpi eq, %sub3A_13, %eq3A : i32
      %broadcast_in_dim3A_34 = arith.constant 0.000000e+00 : f32
      %broadcast_in_dim3A_35 = vector.broadcast %broadcast_in_dim3A_34 : f32 to vector<128x1xf32>
      %get3A_36 = arith.constant 0 : index
      %get3A_37 = arith.constant 0 : index
      %get3A_38 = vector.load %arg12[%get3A_36, %get3A_37] : memref<128x128xf32, #tpu.memory_space<vmem>>, vector<128x1xf32>
      %select_n3A = arith.select %eq3A_33, %broadcast_in_dim3A_35, %get3A_38 : vector<128x1xf32>
      %add3A_39 = arith.addf %select_n3A, %broadcast_in_dim3A : vector<128x1xf32>
      %swap3A_40 = arith.constant 0 : index
      %swap3A_41 = arith.constant 0 : index
      %swap3A_42 = vector.load %arg12[%swap3A_40, %swap3A_41] : memref<128x128xf32, #tpu.memory_space<vmem>>, vector<128x1xf32>
      tpu.vector_store %arg12[%swap3A_40, %swap3A_41], %add3A_39 {strides = array<i32>} : memref<128x128xf32, #tpu.memory_space<vmem>>, vector<128x1xf32>,
    } else {
    }
    %ge3A_8 = arith.constant 14 : i32
    %ge3A_9 = arith.cmpi sge, %arg0, %ge3A_8 : i32
    %convert_element_type3A_10 = arith.extui %ge3A_9 : i1 to i32
    %cond3A_11 = arith.constant 0 : i32
    %cond3A_12 = arith.cmpi ne, %convert_element_type3A_10, %cond3A_11 : i32
    scf.if %cond3A_12 {
      %sub3A = arith.constant 14 : i32
      %sub3A_13 = arith.subi %arg0, %sub3A : i32
      %get3A = arith.constant 0 : index
      %get3A_14 = arith.constant 0 : index
      %get3A_15 = vector.load %arg12[%get3A, %get3A_14] : memref<128x128xf32, #tpu.memory_space<vmem>>, vector<128x1xf32>
      %log3A = math.log %get3A_15 : vector<128x1xf32>
      %mul3A = arith.constant 6400 : i32
      %mul3A_16 = arith.muli %sub3A_13, %mul3A : i32
      %get3A_17 = arith.constant 0 : index
      %get3A_18 = arith.index_cast %mul3A_16 : i32 to index
      %get3A_19 = vector.load %arg10[%get3A_17, %get3A_18] : memref<128x32000xbf16, #tpu.memory_space<vmem>>, vector<128x6400xbf16>
      %convert_element_type3A_20 = arith.extf %get3A_19 : vector<128x6400xbf16> to vector<128x6400xf32>
      %sub3A_21 = vector.broadcast %log3A : vector<128x1xf32> to vector<128x6400xf32>
      %sub3A_22 = arith.subf %convert_element_type3A_20, %sub3A_21 : vector<128x6400xf32>
      %swap3A = arith.constant 0 : index
      %swap3A_23 = arith.constant 0 : index
      %swap3A_24 = vector.load %arg7[%swap3A, %swap3A_23] : memref<128x6400xf32, #tpu.memory_space<vmem>>, vector<128x6400xf32>
      tpu.vector_store %arg7[%swap3A, %swap3A_23], %sub3A_22 {strides = array<i32>} : memref<128x6400xf32, #tpu.memory_space<vmem>>, vector<128x6400xf32>,
    } else {
    }
    return
  }
  func.func @transform_0(%arg0: i32) -> (i32, i32) {
    %c0_i32 = arith.constant 0 : i32
    %c0_i32_0 = arith.constant 0 : i32
    %c0_i32_1 = arith.constant 0 : i32
    return %c0_i32, %c0_i32_0 : i32, i32
  }
  func.func @transform_1(%arg0: i32) -> (i32, i32) {
    %c0_i32 = arith.constant 0 : i32
    %c0_i32_0 = arith.constant 0 : i32
    %c0_i32_1 = arith.constant 0 : i32
    return %c0_i32, %c0_i32_0 : i32, i32
  }
  func.func @transform_2(%arg0: i32) -> (i32, i32) {
    %c0_i32 = arith.constant 0 : i32
    %c0_i32_0 = arith.constant 0 : i32
    %c0_i32_1 = arith.constant 0 : i32
    return %c0_i32, %c0_i32_0 : i32, i32
  }
  func.func @transform_3(%arg0: i32) -> (i32, i32) {
    %min3A = arith.constant 3 : i32
    %min3A_0 = arith.minsi %arg0, %min3A : i32
    %c0_i32 = arith.constant 0 : i32
    %c0_i32_1 = arith.constant 0 : i32
    return %min3A_0, %c0_i32 : i32, i32
  }
  func.func @transform_4(%arg0: i32) -> (i32, i32) {
    %sub3A = arith.constant 4 : i32
    %sub3A_0 = arith.subi %arg0, %sub3A : i32
    %jit3A = arith.constant 0 : i32
    %jit3A_1 = arith.constant 9 : i32
    %max3A = arith.maxsi %jit3A, %sub3A_0 : i32
    %min3A = arith.minsi %jit3A_1, %max3A : i32
    %c0_i32 = arith.constant 0 : i32
    %c0_i32_2 = arith.constant 0 : i32
    return %min3A, %c0_i32 : i32, i32
  }
  func.func @transform_5(%arg0: i32) -> (i32, i32) {
    %c0_i32 = arith.constant 0 : i32
    %c0_i32_0 = arith.constant 0 : i32
    %c0_i32_1 = arith.constant 0 : i32
    return %c0_i32, %c0_i32_0 : i32, i32
  }
  func.func @transform_6(%arg0: i32) -> (i32, i32) {
    %sub3A = arith.constant 14 : i32
    %sub3A_0 = arith.subi %arg0, %sub3A : i32
    %jit3A = arith.constant 0 : i32
    %jit3A_1 = arith.constant 4 : i32
    %max3A = arith.maxsi %jit3A, %sub3A_0 : i32
    %min3A = arith.minsi %jit3A_1, %max3A : i32
    %c0_i32 = arith.constant 0 : i32
    %c0_i32_2 = arith.constant 0 : i32
    return %c0_i32, %min3A : i32, i32
  }
  func.func @transform_7(%arg0: i32) -> (i32, i32) {
    %c0_i32 = arith.constant 0 : i32
    %c0_i32_0 = arith.constant 0 : i32
    %c0_i32_1 = arith.constant 0 : i32
    return %c0_i32, %c0_i32_0 : i32, i32
  }
  func.func @transform_8(%arg0: i32) -> (i32, i32) {
    %c0_i32 = arith.constant 0 : i32
    %c0_i32_0 = arith.constant 0 : i32
    %c0_i32_1 = arith.constant 0 : i32
    return %c0_i32, %c0_i32_0 : i32, i32
  }
}

module attributes {stable_mosaic.version = 14 : i64} {
  func.func @_partial_body(%arg0: i32, %arg1: memref<128x1024xf32, #tpu.memory_space<vmem>>, %arg2: memref<1024x1024xf32, #tpu.memory_space<vmem>>, %arg3: memref<1x4096xf32, #tpu.memory_space<vmem>>, %arg4: memref<1x4096xf32, #tpu.memory_space<vmem>>, %arg5: memref<128x1024xf32, #tpu.memory_space<vmem>>) attributes {dimension_semantics = [#tpu.dimension_semantics<arbitrary>], iteration_bounds = array<i64: 4>, scalar_prefetch = 0 : i64, scratch_operands = 0 : i64, tpu.core_type = #tpu.core_type<tc>, window_params = [{pipeline_mode = #tpu.pipeline_mode<synchronous>, transform_indices = @transform_0, window_bounds = array<i64: 128, 1024>}, {transform_indices = @transform_1, window_bounds = array<i64: 1024, 1024>}, {pipeline_mode = #tpu.pipeline_mode<synchronous>, transform_indices = @transform_2, window_bounds = array<i64: 1, 4096>}, {pipeline_mode = #tpu.pipeline_mode<synchronous>, transform_indices = @transform_3, window_bounds = array<i64: 1, 4096>}, {transform_indices = @transform_4, window_bounds = array<i64: 128, 1024>}]} {
    %get3A = arith.constant 0 : index
    %get3A_0 = arith.constant 0 : index
    %get3A_1 = vector.load %arg1[%get3A, %get3A_0] : memref<128x1024xf32, #tpu.memory_space<vmem>>, vector<128x1024xf32>
    %convert_element_type3A = arith.truncf %get3A_1 : vector<128x1024xf32> to vector<128x1024xbf16>
    %get3A_2 = arith.constant 0 : index
    %get3A_3 = arith.constant 0 : index
    %get3A_4 = vector.load %arg2[%get3A_2, %get3A_3] : memref<1024x1024xf32, #tpu.memory_space<vmem>>, vector<1024x1024xf32>
    %convert_element_type3A_5 = arith.truncf %get3A_4 : vector<1024x1024xf32> to vector<1024x1024xbf16>
    %mul3A = arith.constant 1024 : i32
    %mul3A_6 = arith.muli %arg0, %mul3A : i32
    %dot_general3A = arith.constant dense<0.000000e+00> : vector<128x1024xf32>
    %dot_general3A_7 = tpu.matmul %convert_element_type3A, %convert_element_type3A_5, %dot_general3A {dimension_numbers = #tpu.dot_dimension_numbers<[1], [1], [0], [0], [0, 0, 1, 0], [], []>, transpose_lhs_hint = false} : vector<128x1024xbf16>, vector<1024x1024xbf16>, vector<128x1024xf32> -> vector<128x1024xf32>
    %get3A_8 = arith.constant 0 : index
    %get3A_9 = arith.index_cast %mul3A_6 : i32 to index
    %get3A_10 = vector.load %arg3[%get3A_8, %get3A_9] : memref<1x4096xf32, #tpu.memory_space<vmem>>, vector<1x1024xf32>
    %get3A_11 = arith.constant 0 : index
    %get3A_12 = arith.index_cast %mul3A_6 : i32 to index
    %get3A_13 = vector.load %arg4[%get3A_11, %get3A_12] : memref<1x4096xf32, #tpu.memory_space<vmem>>, vector<1x1024xf32>
    %add3A = arith.addf %get3A_10, %get3A_13 : vector<1x1024xf32>
    %add3A_14 = vector.broadcast %add3A : vector<1x1024xf32> to vector<128x1024xf32>
    %add3A_15 = arith.addf %dot_general3A_7, %add3A_14 : vector<128x1024xf32>
    %swap3A = arith.constant 0 : index
    %swap3A_16 = arith.constant 0 : index
    %swap3A_17 = vector.load %arg5[%swap3A, %swap3A_16] : memref<128x1024xf32, #tpu.memory_space<vmem>>, vector<128x1024xf32>
    tpu.vector_store %arg5[%swap3A, %swap3A_16], %add3A_15 {strides = array<i32>} : memref<128x1024xf32, #tpu.memory_space<vmem>>, vector<128x1024xf32>,
    return
  }
  func.func @transform_0(%arg0: i32) -> (i32, i32) {
    %c0_i32 = arith.constant 0 : i32
    %c0_i32_0 = arith.constant 0 : i32
    %c0_i32_1 = arith.constant 0 : i32
    return %c0_i32, %c0_i32_0 : i32, i32
  }
  func.func @transform_1(%arg0: i32) -> (i32, i32) {
    %c0_i32 = arith.constant 0 : i32
    %c0_i32_0 = arith.constant 0 : i32
    return %arg0, %c0_i32 : i32, i32
  }
  func.func @transform_2(%arg0: i32) -> (i32, i32) {
    %c0_i32 = arith.constant 0 : i32
    %c0_i32_0 = arith.constant 0 : i32
    %c0_i32_1 = arith.constant 0 : i32
    return %c0_i32, %c0_i32_0 : i32, i32
  }
  func.func @transform_3(%arg0: i32) -> (i32, i32) {
    %c0_i32 = arith.constant 0 : i32
    %c0_i32_0 = arith.constant 0 : i32
    %c0_i32_1 = arith.constant 0 : i32
    return %c0_i32, %c0_i32_0 : i32, i32
  }
  func.func @transform_4(%arg0: i32) -> (i32, i32) {
    %c0_i32 = arith.constant 0 : i32
    %c0_i32_0 = arith.constant 0 : i32
    return %c0_i32, %arg0 : i32, i32
  }
}

</mosaic_0001>

<sc_bundles>
// kernel: kernel.5.cloned.1.call-start
scs
__scs_entry_jumppad:
0x0: {  	(pc) =	sbr.rel $0x88, $3  }
0x1: {  	(tag) =	ssettag $0x0;
	lr =	simm.s32 $0x1  }
0x2: {  	[smem:$0x3F97] =	sst lr;
	_ =	strace $0xD0000000  }
0x3: {  	_ = 	snop  }
0x4: {  	_ = 	snop  }
0x5: {  	_ = 	snop  }
0x6: {  	_ = 	snop  }
0x7: {  	_ = 	snop  }
__scs_overlays_trampoline_lowered:
0x8: {  	[smem:$0x3FA6] =	sst s0  }
0x9: {  	[smem:$0x3FA7] =	sst s1  }
0xa: {  	[smem:$0x3FA8] =	sst s2  }
0xb: {  	[smem:$0x3FA9] =	sst s3  }
0xc: {  	[smem:$0x3FAA] =	sst s4  }
0xd: {  	[smem:$0x3FAB] =	sst s5  }
0xe: {  	[smem:$0x3FAC] =	sst s6  }
0xf: {  	[smem:$0x3FAD] =	sst s7  }
0x10: {  	[smem:$0x3FAE] =	sst s8  }
0x11: {  	[smem:$0x3FAF] =	sst s9;
	s0 =	simm.s32 @!p0 $0x0  }
0x12: {  	s1 =	sld [smem:$0x3F95];
	s0 =	simm.s32 @p0 $0x1  }
0x13: {  	[smem:$0x3FB0] =	sst s0;
	s0 =	simm.s32 @!p1 $0x0  }
0x14: {  	s2 =	sld [smem:$0x3F94];
	s0 =	simm.s32 @p1 $0x1  }
0x15: {  	[smem:$0x3FB1] =	sst s0;
	s0 =	simm.s32 @!p2 $0x0  }
0x16: {  	s3 =	sld [smem:$0x3FDB];
	s0 =	simm.s32 @p2 $0x1  }
0x17: {  	s4 =	simm.s32 $0x1BF5;
	[smem:$0x3FB3] =	sst s0  }
0x18: {  	s0 =	sld [smem:$0x3F96];
	_ =	swait.ge [sflag:s4], $0x0  }
0x19: {  	s7 =	sld [smem:$0x3F97]  }
0x1a: {  	s8 =	sadd.s32 $0xFFFFE003, lr  }
0x1b: {  	s9 =	sadd.s32 $0xFFFFFEF7, lr;
	s5 =	simm.s32 $0xFFFFFFFF;
	p2 =	slt.u32 s8, $0xFFFFF086  }
0x1c: {  	p1 =	slt.u32 s9, $0xF7A;
	s5 =	simm.s32 @!p2 $0x0  }
0x1d: {  	s5 =	simm.s32 @p1 $0x1;
	p0 =	seq.s32 s7, s2  }
0x1e: {  	s7 =	smul.u32 @!p0 $0xF7A, s2;
	p2 =	seq.s32 @!p0 s5, $0x0  }
0x1f: {  	s9 =	smul.u32 $0xF7A, s1;
	s8 =	simm.s32 @!p0 $0x1BF5;
	p2 =	por !p2, p0  }
0x20: {  	[sflag:s8] =	ssyncset.s32 @!p0 $0xFFFFF086;
	s6 =	sadd.s32 @!p0 s3, s7;
	s7 =	simm.s32 @!p0 $0x108  }
0x21: {  	s3 =	sadd.s32 s3, s9;
	s6 =	sadd.s32 @!p0 $0x88, s6;
	s7 =	simm.s32 @p2 $0x1082  }
0x22: {  	[simem:s7], [sflag:s8] =	dma.local @!p0 [hbm:s6], $0xF7A  }
0x23: {  	s9 =	sor.u32 $0xD0000000, s2;
	s6 =	simm.s32 $0x108;
	_ =	swait.ge @!p0 [sflag:s8], $0x0  }
0x24: {  	s3 =	sadd.s32 $0x88, s3;
	s6 =	simm.s32 @!p1 $0x1082;
	[sflag:s4] =	ssyncset.s32 $0xFFFFF086  }
0x25: {  	[simem:s6], [sflag:s4] =	dma.local [hbm:s3], $0xF7A  }
0x26: {  	[smem:$0x3F97] =	sst s1;
	(tag) =	ssettag s2;
	_ =	strace s9  }
0x27: {  	s1 =	sld [smem:$0x3FA7]  }
0x28: {  	s2 =	sld [smem:$0x3FA8]  }
0x29: {  	s4 =	sld [smem:$0x3FAA]  }
0x2a: {  	p0 =	seq.s32 s5, $0x0;
	s5 =	sld [smem:$0x3FAB]  }
0x2b: {  	s6 =	sld [smem:$0x3FAC]  }
0x2c: {  	s7 =	sld [smem:$0x3FAD]  }
0x2d: {  	s3 =	simm.s32 $0x108;
	s8 =	sld [smem:$0x3FAE]  }
0x2e: {  	s3 =	simm.s32 @!p0 $0x1082;
	s9 =	sld [smem:$0x3FAF]  }
0x2f: {  	lr =	sadd.s32 s0, s3;
	s0 =	sld [smem:$0x3FA6]  }
0x30: {  	s3 =	sld [smem:$0x3FA9]  }
0x31: {  	[smem:$0x3FB2] =	sst s10  }
0x32: {  	s10 =	sld [smem:$0x3FB0];
	_ =	sdelay $0x3  }
0x33: {  	p0 =	seq.s32 s10, $0x1;
	s10 =	sld [smem:$0x3FB2];
	_ =	sdelay $0x3  }
0x34: {  	[smem:$0x3FB2] =	sst s10  }
0x35: {  	s10 =	sld [smem:$0x3FB1];
	_ =	sdelay $0x3  }
0x36: {  	p1 =	seq.s32 s10, $0x1;
	s10 =	sld [smem:$0x3FB2];
	_ =	sdelay $0x3  }
0x37: {  	[smem:$0x3FB2] =	sst s10  }
0x38: {  	s10 =	sld [smem:$0x3FB3]  }
0x39: {  	_ = 	snop;
	(pc) =	sbr.ind lr, $3  }
0x3a: {  	_ = 	snop  }
0x3b: {  	_ = 	snop  }
0x3c: {  	p2 =	seq.s32 s10, $0x1;
	s10 =	sld [smem:$0x3FB2]  }
0x3d: {  	_ =	shalt  }
0x3e: {  	_ =	shalt  }
0x3f: {  	_ =	shalt  }
0x40: {  	_ =	shalt  }
0x41: {  	_ =	shalt  }
0x42: {  	_ =	shalt  }
0x43: {  	_ =	shalt  }
0x44: {  	_ =	shalt  }
0x45: {  	_ =	shalt  }
0x46: {  	_ =	shalt  }
0x47: {  	_ =	shalt  }
0x48: {  	_ =	shalt  }
0x49: {  	_ =	shalt  }
0x4a: {  	_ =	shalt  }
0x4b: {  	_ =	shalt  }
0x4c: {  	_ =	shalt  }
0x4d: {  	_ =	shalt  }
0x4e: {  	_ =	shalt  }
0x4f: {  	_ =	shalt  }
0x50: {  	_ =	shalt  }
0x51: {  	_ =	shalt  }
0x52: {  	_ =	shalt  }
0x53: {  	_ =	shalt  }
0x54: {  	_ =	shalt  }
0x55: {  	_ =	shalt  }
0x56: {  	_ =	shalt  }
0x57: {  	_ =	shalt  }
0x58: {  	_ =	shalt  }
0x59: {  	_ =	shalt  }
0x5a: {  	_ =	shalt  }
0x5b: {  	_ =	shalt  }
0x5c: {  	_ =	shalt  }
0x5d: {  	_ =	shalt  }
0x5e: {  	_ =	shalt  }
0x5f: {  	_ =	shalt  }
0x60: {  	_ =	shalt  }
0x61: {  	_ =	shalt  }
0x62: {  	_ =	shalt  }
0x63: {  	_ =	shalt  }
0x64: {  	_ =	shalt  }
0x65: {  	_ =	shalt  }
0x66: {  	_ =	shalt  }
0x67: {  	_ =	shalt  }
0x68: {  	_ =	shalt  }
0x69: {  	_ =	shalt  }
0x6a: {  	_ =	shalt  }
0x6b: {  	_ =	shalt  }
0x6c: {  	_ =	shalt  }
0x6d: {  	_ =	shalt  }
0x6e: {  	_ =	shalt  }
0x6f: {  	_ =	shalt  }
0x70: {  	_ =	shalt  }
0x71: {  	_ =	shalt  }
0x72: {  	_ =	shalt  }
0x73: {  	_ =	shalt  }
0x74: {  	_ =	shalt  }
0x75: {  	_ =	shalt  }
0x76: {  	_ =	shalt  }
0x77: {  	_ =	shalt  }
0x78: {  	_ =	shalt  }
0x79: {  	_ =	shalt  }
0x7a: {  	_ =	shalt  }
0x7b: {  	_ =	shalt  }
0x7c: {  	_ =	shalt  }
0x7d: {  	_ =	shalt  }
0x7e: {  	_ =	shalt  }
0x7f: {  	_ =	shalt  }
0x80: {  	_ =	shalt  }
0x81: {  	_ =	shalt  }
0x82: {  	_ =	shalt  }
0x83: {  	_ =	shalt  }
0x84: {  	_ =	shalt  }
0x85: {  	_ =	shalt  }
0x86: {  	_ =	shalt  }
0x87: {  	_ =	shalt  }
.Lfunc_end0:
.L_simem_size_0:
called_computation_lowered:
.L_overlay_start_0:
0x88: {  	s0 =	sld [smem:$0x3FD9]  }
0x89: {  	s1 =	sld [smem:$0x3FFE];
	_ =	sdelay $0x3  }
0x8a: {  	s0 =	sadd.s32 s1, s0  }
0x8b: {  	[smem:$0x3FBE] =	sst s0  }
0x8c: {  	_ = 	snop  }
0x8d: {  	s0 =	sld [smem:$0x3FC9]  }
0x8e: {  	s16 =	sld [smem:$0x3FC6];
	(tm) =	ssettm $0x1  }
0x8f: {  	s2 =	sld [smem:$0x3FFB];
	_ =	sdelay $0x3  }
0x90: {  	_ =	strace s2  }
0x91: {  	s2 =	sld [smem:$0x3FFC];
	_ =	sdelay $0x3  }
0x92: {  	_ =	strace s2  }
0x93: {  	s2 =	sld [smem:$0x3FFD];
	_ =	sdelay $0x3  }
0x94: {  	_ =	strace s2  }
0x95: {  	_ =	strace $0x8FFFFFFF  }
0x96: {  	s17 =	sld [smem:$0x3FDB];
	_ =	sdelay $0x1  }
0x97: {  	s3 =	simm.s32 $_scs_section_size  }
0x98: {  	s4 =	simm.s32 $_size__tile_overlayer_lowered;
	s5 =	simm.s32 $_tile_overlayer_lowered  }
0x99: {  	s20 =	simm.s32 $0x1BFF;
	s19 =	sshll.u32 s5, $0x1;
	s2 =	sadd.s32 s3, s17  }
0x9a: {  	s6 =	simm.s32 $0x0;
	s18 =	sshll.u32 s4, $0x1;
	s4 =	sadd.s32 s19, s2  }
0x9b: {  	[timem:s6], [sflag:s20] =	dma.local [hbm:s4], s18  }
0x9c: {  	_ =	swait.ge [sflag:s20], s18  }
0x9d: {  	s3 =	ssub.s32 $0x0, s18;
	[sflag:s20] =	ssyncset.done $0x0  }
0x9e: {  	[sflag:s20] =	ssyncadd.s32 s3;
	_ =	sdelay $0x1  }
0x9f: {  	s21 =	simm.s32 $0x1B8B  }
0xa0: {  	_ =	swait.ge [sflag:s21], $0x1  }
0xa1: {  	[sflag:s21] =	ssyncset.done $0x0  }
0xa2: {  	s23 =	simm.s32 $0x1B8E;
	s22 =	sld [smem:$0x3FFE];
	[sflag:s21] =	ssyncadd.s32 $0xFFFFFFFF  }
0xa3: {  	s24 =	simm.s32 $execute0_lowered;
	[smem:$0x3FD2] =	sst s23  }
0xa4: {  	s4 =	sshll.u32 s24, $0x1;
	_ =	strace $0x80000046;
	[dreg:$0x1] =	wrdreg $0xFFFFFFFF  }
0xa5: {  	s25 =	simm.s32 $_size_execute0_lowered;
	s2 =	sadd.s32 s2, s4;
	[dreg:$0x0] =	wrdreg $0x0  }
0xa6: {  	s4 =	sshll.u32 s25, $0x1;
	[dreg:$0x2] =	wrdreg s2  }
0xa7: {  	[dreg:$0x3] =	wrdreg s4  }
0xa8: {  	[dreg:$0x4] =	wrdreg $0xC0  }
0xa9: {  	_ =	task [dreg:s6], $0x5FFFF  }
0xaa: {  	[dreg:$0x1] =	wrdreg $0xFFFFFFFF  }
0xab: {  	[dreg:$0x0] =	wrdreg $0x60  }
0xac: {  	[dreg:$0x2] =	wrdreg s16  }
0xad: {  	[dreg:$0x3] =	wrdreg s0  }
0xae: {  	[dreg:$0x4] =	wrdreg s22  }
0xaf: {  	[dreg:$0x5] =	wrdreg $0x9  }
0xb0: {  	_ =	task.clear_ibuf [dreg:s6], $0x6FFFF;
	_ =	strace $0x90000046  }
0xb1: {  	s26 =	simm.s32 $0x9;
	_ =	strace $0x80000048  }
0xb2: {  	_ =	swait.ge [sflag:s26], $0x1  }
0xb3: {  	[sflag:s26] =	ssyncadd.s32 $0xFFFFFFFF  }
0xb4: {  	_ =	strace $0x90000048  }
0xb5: {  	_ =	sfence  }
0xb6: {  	s28 =	sld [smem:$0x0];
	_ =	sdelay $0x1  }
0xb7: {  	s29 =	srdreg.scid  }
0xb8: {  	s30 =	sshll.u32 s29, $0xD;
	s31 =	sshrl.u32 s29, $0x2  }
0xb9: {  	s1 =	sand.u32 $0x1, s29;
	s2 =	sand.u32 $0x4000, s30;
	s0 =	sadd.s32 s31, s28  }
0xba: {  	s1 =	sor.u32 s2, s1;
	s0 =	sshll.u32 s0, $0x11  }
0xbb: {  	s0 =	sor.u32 s0, s1  }
0xbc: {  	s0 =	sadd.s32 $0x8F2B, s0  }
0xbd: {  	[sflag:s0] =	ssyncadd.remote.s32 $0x1  }
0xbe: {  	_ =	sfence.sel $0xFFFF  }
0xbf: {  	[dreg:$0x0] =	wrdreg $0xFFFFFFFF;
	(pc) =	sbr.abs _section_cstart, $3  }
0xc0: {  	[dreg:$0x1] =	wrdreg $0xFFFFFFFF  }
0xc1: {  	_ =	task.clear_ibuf [dreg:s6], $0x2FFFF;
	_ =	strace $0x9FFFFFFF  }
0xc2: {  	(tm) =	ssettm $0x7FFFFFFF  }
0xc3: {  	_ =	shalt  }
tec
execute0_lowered:
.L_overlay_start_1:
0x0: {  	(tag) =	ssettag $0x1  }
0x1: {  	s0 =	rddreg [dreg:$0x0]  }
0x2: {  	s1 =	rddreg [dreg:$0x1]  }
0x3: {  	s2 =	rddreg [dreg:$0x2]  }
0x4: {  	s3 =	rddreg [dreg:$0x3];
	s4 =	simm.s32 $0x0  }
0x5: {  	s5 =	stileid.u32;
	[smem:$0x7FF] =	sst s4  }
0x6: {  	s25 =	simm.s32 $0x2;
	s1 =	sadd.s32 s1, s5;
	_ =	strace $0x80000047  }
0x7: {  	[tilespmem:s4], [sflag:$0x2] =	stream.linear.gather [hbm4b:s1+s4], $0x8, $0x38;
	[tilespmem:$0x2080] =	vst v63  }
0x8: {  	_ =	swait.ge [sflag:s25], $0x8  }
0x9: {  	[sflag:s25] =	ssyncset.done $0x0  }
0xa: {  	[sflag:s25] =	ssyncadd.s32 $0xFFFFFFF8  }
0xb: {  	v0 =	vld.msk [tilespmem:$0x0], $0xff;
	_ =	sdelay $0x4  }
0xc: {  	v1 =	vshll.u32 v0, $0x3  }
0xd: {  	v2 =	vlaneseq.u32;
	v0 =	vand.u32 $0x7, v0;
	v1 =	vand.u32 $0xFFFFFFC0, v1  }
0xe: {  	v62 =	vand.u32 $0x7, v2;
	v2 =	vshrl.u32 v2, $0x3;
	v0 =	vor.u32 v0, v1  }
0xf: {  	v63 =	vmul.u32 $0x8, v2;
	v0 =	vperm.xlane v0, v62;
	_ =	sdelay $0x1  }
0x10: {  	v0 =	vadd.s32 v63, v0;
	_ =	sdelay $0x3  }
0x11: {  	vm0 =	vmmov $0xffff;
	s6 =	simm.s32 $0x80  }
0x12: {  	[tilespmem:s6], [sflag:$0x1] =	stream.indirect_vreg.gather [hbm4b:s0+s4], $0x80, v0, vm0, $0xb8;
	[tilespmem:$0x2080] =	vst v63  }
0x13: {  	s8 =	simm.s32 $0x880;
	s7 =	sadd.s32 $0x100, s0  }
0x14: {  	[tilespmem:s8], [sflag:$0x1] =	stream.indirect_vreg.gather [hbm4b:s7+s4], $0x80, v0, vm0, $0xb8;
	[tilespmem:$0x2080] =	vst v63  }
0x15: {  	s28 =	simm.s32 $0x1080;
	s26 =	sadd.s32 $0x200, s0  }
0x16: {  	[tilespmem:s28], [sflag:$0x1] =	stream.indirect_vreg.gather [hbm4b:s26+s4], $0x80, v0, vm0, $0xb8;
	[tilespmem:$0x2080] =	vst v63  }
0x17: {  	s29 =	simm.s32 $0x1880;
	s30 =	simm.s32 $0x1;
	s0 =	sadd.s32 $0x300, s0  }
0x18: {  	[tilespmem:s29], [sflag:$0x1] =	stream.indirect_vreg.gather [hbm4b:s0+s4], $0x80, v0, vm0, $0xb8;
	[tilespmem:$0x2080] =	vst v63  }
0x19: {  	s31 =	sshll.u32 s5, $0xA;
	_ =	swait.ge [sflag:s30], $0x2000  }
0x1a: {  	s2 =	sadd.s32 s31, s2;
	[sflag:s30] =	ssyncset.done $0x0  }
0x1b: {  	s2 =	sadd.s32 $0x600, s2;
	[sflag:s30] =	ssyncadd.s32 $0xFFFFE000  }
0x1c: {  	[hbm4b:s2+s4] =	stream.linear.scatter [tilespmem:s6], [sflag:$0x2], $0x2000, $0x38;
	[tilespmem:$0x2080] =	vst v63  }
0x1d: {  	_ =	swait.ge [sflag:s25], $0x2000  }
0x1e: {  	[sflag:s25] =	ssyncset.done $0x0  }
0x1f: {  	[sflag:s25] =	ssyncadd.s32 $0xFFFFE000  }
0x20: {  	_ =	sfence.sel $0x180000  }
0x21: {  	[bflag:$0x0] =	sbarrier.arrive $0xFFFF  }
0x22: {  	p0 =	sne.s32 s5, $0x0;
	_ =	strace $0x90000047  }
0x23: {  	s0 =	sadd.s32 @!p0 $0x100000, s3;
	[bflag:$0x2] =	sbarrier.arrive $0xFFFF  }
0x24: {  	[sflag:s0] =	ssyncadd.tile.s32 @!p0 $0x1;
	_ =	shalt  }
.Lfunc_end2:
_tile_overlayer_lowered:
.L_overlay_start_2:
0x25: {  	(tag) =	ssettag $0x2  }
0x26: {  	s0 =	rddreg [dreg:$0x0];
	s2 =	stileid.u32  }
0x27: {  	s1 =	rddreg [dreg:$0x1];
	p0 =	sne.s32 s2, $0x0  }
0x28: {  	s3 =	rddreg [dreg:$0x2];
	[bflag:$0x3] =	sbarrier.arrive $0xFFFF;
	s2 =	simm.s32 @!p0 $0x1C02  }
0x29: {  	[timem:s3], [sflag:s2] =	dma.local @!p0 [hbm:s0], s1  }
0x2a: {  	s0 =	simm.s32 @!p0 $0x2  }
0x2b: {  	_ =	swait.ge @!p0 [sflag:s0], s1  }
0x2c: {  	s1 =	ssub.s32 @!p0 $0x0, s1;
	[sflag:s0] =	ssyncset.done @!p0 $0x0  }
0x2d: {  	[sflag:s0] =	ssyncadd.s32 @!p0 s1  }
0x2e: {  	[bflag:$0x3] =	sbarrier.arrive $0xFFFF  }
0x2f: {  	_ =	shalt  }

</sc_bundles>
